<compile_context>
chip_gen: v7x
topology: tpu7x:2x2x1
jax: 0.10.2.dev20260603
libtpu: 0.0.44.dev20260713+nightly
codegen_flags: <defaults>
</compile_context>

<pallas_src>
import functools

import jax
import jax.numpy as jnp
from jax import lax
from jax.experimental import pallas as pl
from jax.experimental.pallas import tpu as pltpu
from jax.experimental.pallas import tpu_sc as plsc

R = 16
N = 2048
L = 262144

NUM_CORES = 2
NUM_SUBCORES = 16
NUM_WORKERS = NUM_CORES * NUM_SUBCORES
B = L // NUM_WORKERS
LANES = 16
STEPS = B // LANES


def _sc_body(table_hbm, packed_hbm, outp_hbm, outn_hbm,
             packed_v, idx_v, sf_v, vals_v, accp_v, accn_v, sem):
    wid = lax.axis_index("s") * NUM_CORES + lax.axis_index("c")
    base = wid * B

    pltpu.sync_copy(packed_hbm.at[pl.ds(base, B)], packed_v)

    def idx_body(i, carry):
        off = i * LANES
        p = packed_v[pl.ds(off, LANES)]
        lab = p & 1
        e2 = (p >> 1) & 0x7FF
        rel = (p >> 12) & 0xF
        e1 = p >> 16
        idx_v[pl.ds(off, LANES)] = (rel << 22) + (e1 << 11) + e2
        sf_v[pl.ds(off, LANES)] = (2 * lab - 1).astype(jnp.float32)
        return carry

    lax.fori_loop(0, STEPS, idx_body, 0)

    pltpu.async_copy(table_hbm.at[idx_v], vals_v, sem).wait()

    def acc_body(i, carry):
        accp, accn = carry
        off = i * LANES
        x = vals_v[pl.ds(off, LANES)]
        sf = sf_v[pl.ds(off, LANES)]
        p = 1.0 / (1.0 + jnp.exp(-(sf * x)))
        return accp + p, accn + (1.0 - sf) * 0.5

    zeros = jnp.zeros((LANES,), jnp.float32)
    accp, accn = lax.fori_loop(0, STEPS, acc_body, (zeros, zeros))

    accp_v[...] = accp
    accn_v[...] = accn
    pltpu.sync_copy(accp_v, outp_hbm.at[wid])
    pltpu.sync_copy(accn_v, outn_hbm.at[wid])


@functools.partial(
    pl.kernel,
    out_type=(
        jax.ShapeDtypeStruct((NUM_WORKERS, LANES), jnp.float32),
        jax.ShapeDtypeStruct((NUM_WORKERS, LANES), jnp.float32),
    ),
    mesh=plsc.VectorSubcoreMesh(
        core_axis_name="c", subcore_axis_name="s",
        num_cores=NUM_CORES, num_subcores=NUM_SUBCORES,
    ),
    scratch_types=[
        pltpu.VMEM((B,), jnp.int32),
        pltpu.VMEM((B,), jnp.int32),
        pltpu.VMEM((B,), jnp.float32),
        pltpu.VMEM((B,), jnp.float32),
        pltpu.VMEM((LANES,), jnp.float32),
        pltpu.VMEM((LANES,), jnp.float32),
        pltpu.SemaphoreType.DMA,
    ],
)
def _sc_loss(*refs):
    _sc_body(*refs)


def kernel(predicted_values, labels):
    lab2 = labels.astype(jnp.int32)
    packed = ((lab2[:, 0] << 16) | (lab2[:, 1] << 12)
              | (lab2[:, 2] << 1) | lab2[:, 3])
    partial_p, partial_n = _sc_loss(predicted_values.reshape(-1), packed)
    sum_p = jnp.sum(partial_p)
    neg = jnp.sum(partial_n)
    loss = (-1.0 / ((1.0 + neg) * jnp.float32(L))) * sum_p
    return jnp.reshape(loss, (1,)).astype(jnp.float32)

# --- scband reference (transcript-rebuilt; emitter-appended) ---
"""Pipeline reference for scband-loss-343597383760 (READ-ONLY COPY).

The authoritative reference and input builder live on the scoring server;
editing this copy changes nothing except your own understanding.
"""

import jax, jax.numpy as jnp
import numpy as np

R = 16
N = 2048
L = 262144

def setup_inputs(seed: int = 0) -> dict:
    key = jax.random.key(seed)
    k1, k2, k3, k4, k5 = jax.random.split(key, 5)
    predicted_values = jax.random.normal(k1, (R, N, N), dtype=jnp.float32)
    e1 = jax.random.randint(k2, (L,), 0, N, dtype=jnp.int64)
    rel = jax.random.randint(k3, (L,), 0, R, dtype=jnp.int64)
    e2 = jax.random.randint(k4, (L,), 0, N, dtype=jnp.int64)
    lab = jax.random.randint(k5, (L,), 0, 2, dtype=jnp.int64)
    labels = jnp.stack([e1, rel, e2, lab], axis=1)
    return {"predicted_values": predicted_values, "labels": labels}

def reference(predicted_values, labels):
    # Vectorized, faithful translation of the per-sample python loop.
    # matrice_builder.get_index / get_relation_name_mapping are identity maps
    # since labels already carry integer indices.
    e1 = labels[:, 0]
    rel = labels[:, 1]
    e2 = labels[:, 2]
    lab = labels[:, 3].astype(jnp.float32)
    # gather: predicted_values[relation_index][entity_1_index][entity_2_index]
    pred = predicted_values[rel, e1, e2]
    sig = jax.nn.sigmoid(pred)
    per_sample = lab * sig + (1.0 - lab) * (1.0 - sig)
    negative_examples = jnp.sum(lab == 0).astype(jnp.float32)
    n = jnp.float32(labels.shape[0])
    loss = (-1.0 / ((1.0 + negative_examples) * n)) * jnp.sum(per_sample)
    return jnp.reshape(loss, (1,))

if __name__ == "__main__":
    import jax
    _d = setup_inputs()
    print(jax.jit(kernel)(*tuple(_d.values())))

</pallas_src>

<mosaic_0001>
#map = affine_map<(d0, d1) -> (0)>
#map1 = affine_map<(d0, d1) -> (0, 0)>
module attributes {stable_mosaic.version = 14 : i64} {
  func.func @_sc_loss(%arg0: i32, %arg1: i32, %arg2: memref<67108864xf32, #tpu.memory_space<hbm>>, %arg3: memref<262144xi32, #tpu.memory_space<hbm>>, %arg4: memref<32x16xf32, #tpu.memory_space<hbm>>, %arg5: memref<32x16xf32, #tpu.memory_space<hbm>>, %arg6: memref<8192xi32, #tpu.memory_space<vmem>>, %arg7: memref<8192xi32, #tpu.memory_space<vmem>>, %arg8: memref<8192xf32, #tpu.memory_space<vmem>>, %arg9: memref<8192xf32, #tpu.memory_space<vmem>>, %arg10: memref<16xf32, #tpu.memory_space<vmem>>, %arg11: memref<16xf32, #tpu.memory_space<vmem>>, %arg12: memref<!tpu.dma_semaphore, #tpu.memory_space<semaphore_mem>>) attributes {dimension_semantics = [#tpu.dimension_semantics<core_parallel>, #tpu.dimension_semantics<subcore_parallel>], iteration_bounds = array<i64: 2, 16>, scalar_prefetch = 0 : i64, scratch_operands = 7 : i64, tpu.core_type = #tpu.core_type<sc_vector_subcore>, window_params = [{transform_indices = #map}, {transform_indices = #map}, {transform_indices = #map1}, {transform_indices = #map1}]} {
    %mul3A = arith.constant 2 : i32
    %mul3A_0 = arith.muli %arg1, %mul3A : i32
    %add3A = arith.addi %mul3A_0, %arg0 : i32
    %mul3A_1 = arith.constant 8192 : i32
    %mul3A_2 = arith.muli %add3A, %mul3A_1 : i32
    "tpu.region"() ({
      %run_scoped3A = tpu.sem_alloc : memref<!tpu.dma_semaphore, #tpu.memory_space<semaphore_mem>>
      %dma_start3A_24 = tpu.memref_slice %arg3[%mul3A_2] : memref<262144xi32, #tpu.memory_space<hbm>> -> memref<8192xi32, #tpu.memory_space<hbm>>
      %dma_start3A_25 = tpu.memref_slice %arg3[%mul3A_2] : memref<262144xi32, #tpu.memory_space<hbm>> -> memref<8192xi32, #tpu.memory_space<hbm>>
      tpu.enqueue_dma source(%dma_start3A_25 : memref<8192xi32, #tpu.memory_space<hbm>>) target(%arg6 : memref<8192xi32, #tpu.memory_space<vmem>>) target_semaphore(%run_scoped3A : memref<!tpu.dma_semaphore, #tpu.memory_space<semaphore_mem>>)
      %dma_wait3A_26 = tpu.memref_slice %arg3[%mul3A_2] : memref<262144xi32, #tpu.memory_space<hbm>> -> memref<8192xi32, #tpu.memory_space<hbm>>
      %dma_wait3A_27 = tpu.memref_slice %arg3[%mul3A_2] : memref<262144xi32, #tpu.memory_space<hbm>> -> memref<8192xi32, #tpu.memory_space<hbm>>
      tpu.wait_dma2 semaphore(%run_scoped3A : memref<!tpu.dma_semaphore, #tpu.memory_space<semaphore_mem>>) src(%dma_wait3A_27 : memref<8192xi32, #tpu.memory_space<hbm>>) dst(%arg6 : memref<8192xi32, #tpu.memory_space<vmem>>)
      tpu.yield
    }) : () -> ()
    %scan3A = arith.constant 0 : i32
    %scan3A_3 = arith.constant 0 : i32
    %scan3A_4 = arith.constant 512 : i32
    %scan3A_5 = arith.addi %scan3A_3, %scan3A_4 : i32
    %scan3A_6 = arith.constant 1 : i32
    scf.for %scan3A_24 = %scan3A_3 to %scan3A_5 step %scan3A_6  : i32 {
      %mul3A_25 = arith.constant 16 : i32
      %mul3A_26 = arith.muli %scan3A_24, %mul3A_25 : i32
      %get3A = arith.index_cast %mul3A_26 : i32 to index
      %get3A_27 = tpu.vector_load %arg6[%get3A] {strides = array<i32>} : memref<8192xi32, #tpu.memory_space<vmem>>, vector<16xi32>,
      %get3A_28 = vector.shape_cast %get3A_27 : vector<16xi32> to vector<16xi32>
      %and3A = arith.constant 1 : i32
      %and3A_29 = vector.broadcast %and3A : i32 to vector<16xi32>
      %and3A_30 = arith.andi %get3A_28, %and3A_29 : vector<16xi32>
      %shift_right_arithmetic3A = arith.constant 1 : i32
      %shift_right_arithmetic3A_31 = vector.broadcast %shift_right_arithmetic3A : i32 to vector<16xi32>
      %shift_right_arithmetic3A_32 = arith.shrsi %get3A_28, %shift_right_arithmetic3A_31 : vector<16xi32>
      %and3A_33 = arith.constant 2047 : i32
      %and3A_34 = vector.broadcast %and3A_33 : i32 to vector<16xi32>
      %and3A_35 = arith.andi %shift_right_arithmetic3A_32, %and3A_34 : vector<16xi32>
      %shift_right_arithmetic3A_36 = arith.constant 12 : i32
      %shift_right_arithmetic3A_37 = vector.broadcast %shift_right_arithmetic3A_36 : i32 to vector<16xi32>
      %shift_right_arithmetic3A_38 = arith.shrsi %get3A_28, %shift_right_arithmetic3A_37 : vector<16xi32>
      %and3A_39 = arith.constant 15 : i32
      %and3A_40 = vector.broadcast %and3A_39 : i32 to vector<16xi32>
      %and3A_41 = arith.andi %shift_right_arithmetic3A_38, %and3A_40 : vector<16xi32>
      %shift_right_arithmetic3A_42 = arith.constant 16 : i32
      %shift_right_arithmetic3A_43 = vector.broadcast %shift_right_arithmetic3A_42 : i32 to vector<16xi32>
      %shift_right_arithmetic3A_44 = arith.shrsi %get3A_28, %shift_right_arithmetic3A_43 : vector<16xi32>
      %shift_left3A = arith.constant 22 : i32
      %shift_left3A_45 = vector.broadcast %shift_left3A : i32 to vector<16xi32>
      %shift_left3A_46 = arith.shli %and3A_41, %shift_left3A_45 : vector<16xi32>
      %shift_left3A_47 = arith.constant 11 : i32
      %shift_left3A_48 = vector.broadcast %shift_left3A_47 : i32 to vector<16xi32>
      %shift_left3A_49 = arith.shli %shift_right_arithmetic3A_44, %shift_left3A_48 : vector<16xi32>
      %add3A_50 = arith.addi %shift_left3A_46, %shift_left3A_49 : vector<16xi32>
      %add3A_51 = arith.addi %add3A_50, %and3A_35 : vector<16xi32>
      %swap3A_52 = arith.index_cast %mul3A_26 : i32 to index
      %swap3A_53 = tpu.vector_load %arg7[%swap3A_52] {strides = array<i32>} : memref<8192xi32, #tpu.memory_space<vmem>>, vector<16xi32>,
      %swap3A_54 = vector.shape_cast %swap3A_53 : vector<16xi32> to vector<16xi32>
      %swap3A_55 = vector.shape_cast %add3A_51 : vector<16xi32> to vector<16xi32>
      tpu.vector_store %arg7[%swap3A_52], %swap3A_55 {strides = array<i32>} : memref<8192xi32, #tpu.memory_space<vmem>>, vector<16xi32>,
      %mul3A_56 = arith.constant 2 : i32
      %mul3A_57 = vector.broadcast %mul3A_56 : i32 to vector<16xi32>
      %mul3A_58 = arith.muli %mul3A_57, %and3A_30 : vector<16xi32>
      %sub3A = arith.constant 1 : i32
      %sub3A_59 = vector.broadcast %sub3A : i32 to vector<16xi32>
      %sub3A_60 = arith.subi %mul3A_58, %sub3A_59 : vector<16xi32>
      %convert_element_type3A = arith.sitofp %sub3A_60 : vector<16xi32> to vector<16xf32>
      %swap3A_61 = arith.index_cast %mul3A_26 : i32 to index
      %swap3A_62 = tpu.vector_load %arg8[%swap3A_61] {strides = array<i32>} : memref<8192xf32, #tpu.memory_space<vmem>>, vector<16xf32>,
      %swap3A_63 = vector.shape_cast %swap3A_62 : vector<16xf32> to vector<16xf32>
      %swap3A_64 = vector.shape_cast %convert_element_type3A : vector<16xf32> to vector<16xf32>
      tpu.vector_store %arg8[%swap3A_61], %swap3A_64 {strides = array<i32>} : memref<8192xf32, #tpu.memory_space<vmem>>, vector<16xf32>,
    }
    %scan3A_7 = arith.constant 512 : i32
    %dma_start3A = arith.constant 0 : i32
    %dma_start3A_8 = tpu.memref_slice %arg2[%dma_start3A] : memref<67108864xf32, #tpu.memory_space<hbm>> -> memref<67108864xf32, #tpu.memory_space<hbm>>
    tpu.enqueue_indirect_dma source(%dma_start3A_8 : memref<67108864xf32, #tpu.memory_space<hbm>>) target(%arg9 : memref<8192xf32, #tpu.memory_space<vmem>>) offsets(%arg7 : memref<8192xi32, #tpu.memory_space<vmem>>) semaphore(%arg12 : memref<!tpu.dma_semaphore, #tpu.memory_space<semaphore_mem>>)
    %dma_wait3A = arith.constant 0 : i32
    %dma_wait3A_9 = tpu.memref_slice %arg2[%dma_wait3A] : memref<67108864xf32, #tpu.memory_space<hbm>> -> memref<67108864xf32, #tpu.memory_space<hbm>>
    tpu.wait_indirect_dma semaphore(%arg12 : memref<!tpu.dma_semaphore, #tpu.memory_space<semaphore_mem>>) src(%dma_wait3A_9 : memref<67108864xf32, #tpu.memory_space<hbm>>) dst(%arg9 : memref<8192xf32, #tpu.memory_space<vmem>>)
    %broadcast_in_dim3A = arith.constant 0.000000e+00 : f32
    %broadcast_in_dim3A_10 = vector.broadcast %broadcast_in_dim3A : f32 to vector<16xf32>
    %scan3A_11 = arith.constant 0 : i32
    %scan3A_12 = arith.constant 512 : i32
    %scan3A_13 = arith.addi %scan3A_11, %scan3A_12 : i32
    %scan3A_14 = arith.constant 1 : i32
    %scan3A_15:2 = scf.for %scan3A_24 = %scan3A_11 to %scan3A_13 step %scan3A_14 iter_args(%scan3A_25 = %broadcast_in_dim3A_10, %scan3A_26 = %broadcast_in_dim3A_10) -> (vector<16xf32>, vector<16xf32>)  : i32 {
      %mul3A_27 = arith.constant 16 : i32
      %mul3A_28 = arith.muli %scan3A_24, %mul3A_27 : i32
      %get3A = arith.index_cast %mul3A_28 : i32 to index
      %get3A_29 = tpu.vector_load %arg9[%get3A] {strides = array<i32>} : memref<8192xf32, #tpu.memory_space<vmem>>, vector<16xf32>,
      %get3A_30 = vector.shape_cast %get3A_29 : vector<16xf32> to vector<16xf32>
      %get3A_31 = arith.index_cast %mul3A_28 : i32 to index
      %get3A_32 = tpu.vector_load %arg8[%get3A_31] {strides = array<i32>} : memref<8192xf32, #tpu.memory_space<vmem>>, vector<16xf32>,
      %get3A_33 = vector.shape_cast %get3A_32 : vector<16xf32> to vector<16xf32>
      %mul3A_34 = arith.mulf %get3A_33, %get3A_30 : vector<16xf32>
      %neg3A = arith.constant 0.000000e+00 : f32
      %neg3A_35 = vector.broadcast %neg3A : f32 to vector<16xf32>
      %neg3A_36 = arith.subf %neg3A_35, %mul3A_34 : vector<16xf32>
      %exp3A = math.exp %neg3A_36 : vector<16xf32>
      %add3A_37 = arith.constant 1.000000e+00 : f32
      %add3A_38 = vector.broadcast %add3A_37 : f32 to vector<16xf32>
      %add3A_39 = arith.addf %add3A_38, %exp3A : vector<16xf32>
      %div3A = arith.constant 1.000000e+00 : f32
      %div3A_40 = vector.broadcast %div3A : f32 to vector<16xf32>
      %div3A_41 = arith.divf %div3A_40, %add3A_39 : vector<16xf32>
      %add3A_42 = arith.addf %scan3A_25, %div3A_41 : vector<16xf32>
      %sub3A = arith.constant 1.000000e+00 : f32
      %sub3A_43 = vector.broadcast %sub3A : f32 to vector<16xf32>
      %sub3A_44 = arith.subf %sub3A_43, %get3A_33 : vector<16xf32>
      %mul3A_45 = arith.constant 5.000000e-01 : f32
      %mul3A_46 = vector.broadcast %mul3A_45 : f32 to vector<16xf32>
      %mul3A_47 = arith.mulf %sub3A_44, %mul3A_46 : vector<16xf32>
      %add3A_48 = arith.addf %scan3A_26, %mul3A_47 : vector<16xf32>
      scf.yield %add3A_42, %add3A_48 : vector<16xf32>, vector<16xf32>
    }
    %scan3A_16 = arith.constant 512 : i32
    %swap3A = arith.constant 0 : index
    %swap3A_17 = tpu.vector_load %arg10[%swap3A] {strides = array<i32>} : memref<16xf32, #tpu.memory_space<vmem>>, vector<16xf32>,
    %swap3A_18 = vector.shape_cast %swap3A_17 : vector<16xf32> to vector<16xf32>
    %swap3A_19 = vector.shape_cast %scan3A_15#0 : vector<16xf32> to vector<16xf32>
    tpu.vector_store %arg10[%swap3A], %swap3A_19 {strides = array<i32>} : memref<16xf32, #tpu.memory_space<vmem>>, vector<16xf32>,
    %swap3A_20 = arith.constant 0 : index
    %swap3A_21 = tpu.vector_load %arg11[%swap3A_20] {strides = array<i32>} : memref<16xf32, #tpu.memory_space<vmem>>, vector<16xf32>,
    %swap3A_22 = vector.shape_cast %swap3A_21 : vector<16xf32> to vector<16xf32>
    %swap3A_23 = vector.shape_cast %scan3A_15#1 : vector<16xf32> to vector<16xf32>
    tpu.vector_store %arg11[%swap3A_20], %swap3A_23 {strides = array<i32>} : memref<16xf32, #tpu.memory_space<vmem>>, vector<16xf32>,
    "tpu.region"() ({
      %run_scoped3A = tpu.sem_alloc : memref<!tpu.dma_semaphore, #tpu.memory_space<semaphore_mem>>
      %dma_start3A_24 = arith.constant 0 : i32
      %dma_start3A_25 = tpu.memref_slice %arg4[%add3A, %dma_start3A_24] : memref<32x16xf32, #tpu.memory_space<hbm>> -> memref<1x16xf32, #tpu.memory_space<hbm>>
      %dma_start3A_26 = tpu.memref_squeeze %dma_start3A_25 : memref<1x16xf32, #tpu.memory_space<hbm>> -> memref<16xf32, #tpu.memory_space<hbm>>
      %dma_start3A_27 = arith.constant 0 : i32
      %dma_start3A_28 = tpu.memref_slice %arg4[%add3A, %dma_start3A_27] : memref<32x16xf32, #tpu.memory_space<hbm>> -> memref<1x16xf32, #tpu.memory_space<hbm>>
      %dma_start3A_29 = tpu.memref_squeeze %dma_start3A_28 : memref<1x16xf32, #tpu.memory_space<hbm>> -> memref<16xf32, #tpu.memory_space<hbm>>
      tpu.enqueue_dma source(%arg10 : memref<16xf32, #tpu.memory_space<vmem>>) target(%dma_start3A_29 : memref<16xf32, #tpu.memory_space<hbm>>) target_semaphore(%run_scoped3A : memref<!tpu.dma_semaphore, #tpu.memory_space<semaphore_mem>>)
      %dma_wait3A_30 = arith.constant 0 : i32
      %dma_wait3A_31 = tpu.memref_slice %arg4[%add3A, %dma_wait3A_30] : memref<32x16xf32, #tpu.memory_space<hbm>> -> memref<1x16xf32, #tpu.memory_space<hbm>>
      %dma_wait3A_32 = tpu.memref_squeeze %dma_wait3A_31 : memref<1x16xf32, #tpu.memory_space<hbm>> -> memref<16xf32, #tpu.memory_space<hbm>>
      %dma_wait3A_33 = arith.constant 0 : i32
      %dma_wait3A_34 = tpu.memref_slice %arg4[%add3A, %dma_wait3A_33] : memref<32x16xf32, #tpu.memory_space<hbm>> -> memref<1x16xf32, #tpu.memory_space<hbm>>
      %dma_wait3A_35 = tpu.memref_squeeze %dma_wait3A_34 : memref<1x16xf32, #tpu.memory_space<hbm>> -> memref<16xf32, #tpu.memory_space<hbm>>
      tpu.wait_dma2 semaphore(%run_scoped3A : memref<!tpu.dma_semaphore, #tpu.memory_space<semaphore_mem>>) src(%arg10 : memref<16xf32, #tpu.memory_space<vmem>>) dst(%dma_wait3A_35 : memref<16xf32, #tpu.memory_space<hbm>>)
      tpu.yield
    }) : () -> ()
    "tpu.region"() ({
      %run_scoped3A = tpu.sem_alloc : memref<!tpu.dma_semaphore, #tpu.memory_space<semaphore_mem>>
      %dma_start3A_24 = arith.constant 0 : i32
      %dma_start3A_25 = tpu.memref_slice %arg5[%add3A, %dma_start3A_24] : memref<32x16xf32, #tpu.memory_space<hbm>> -> memref<1x16xf32, #tpu.memory_space<hbm>>
      %dma_start3A_26 = tpu.memref_squeeze %dma_start3A_25 : memref<1x16xf32, #tpu.memory_space<hbm>> -> memref<16xf32, #tpu.memory_space<hbm>>
      %dma_start3A_27 = arith.constant 0 : i32
      %dma_start3A_28 = tpu.memref_slice %arg5[%add3A, %dma_start3A_27] : memref<32x16xf32, #tpu.memory_space<hbm>> -> memref<1x16xf32, #tpu.memory_space<hbm>>
      %dma_start3A_29 = tpu.memref_squeeze %dma_start3A_28 : memref<1x16xf32, #tpu.memory_space<hbm>> -> memref<16xf32, #tpu.memory_space<hbm>>
      tpu.enqueue_dma source(%arg11 : memref<16xf32, #tpu.memory_space<vmem>>) target(%dma_start3A_29 : memref<16xf32, #tpu.memory_space<hbm>>) target_semaphore(%run_scoped3A : memref<!tpu.dma_semaphore, #tpu.memory_space<semaphore_mem>>)
      %dma_wait3A_30 = arith.constant 0 : i32
      %dma_wait3A_31 = tpu.memref_slice %arg5[%add3A, %dma_wait3A_30] : memref<32x16xf32, #tpu.memory_space<hbm>> -> memref<1x16xf32, #tpu.memory_space<hbm>>
      %dma_wait3A_32 = tpu.memref_squeeze %dma_wait3A_31 : memref<1x16xf32, #tpu.memory_space<hbm>> -> memref<16xf32, #tpu.memory_space<hbm>>
      %dma_wait3A_33 = arith.constant 0 : i32
      %dma_wait3A_34 = tpu.memref_slice %arg5[%add3A, %dma_wait3A_33] : memref<32x16xf32, #tpu.memory_space<hbm>> -> memref<1x16xf32, #tpu.memory_space<hbm>>
      %dma_wait3A_35 = tpu.memref_squeeze %dma_wait3A_34 : memref<1x16xf32, #tpu.memory_space<hbm>> -> memref<16xf32, #tpu.memory_space<hbm>>
      tpu.wait_dma2 semaphore(%run_scoped3A : memref<!tpu.dma_semaphore, #tpu.memory_space<semaphore_mem>>) src(%arg11 : memref<16xf32, #tpu.memory_space<vmem>>) dst(%dma_wait3A_35 : memref<16xf32, #tpu.memory_space<hbm>>)
      tpu.yield
    }) : () -> ()
    return
  }
}

</mosaic_0001>

<sc_bundles>
// kernel: kernel.3.cloned.1.call-start
scs
__scs_entry_jumppad:
0x0: {  	(pc) =	sbr.rel $0x88, $3  }
0x1: {  	(tag) =	ssettag $0x0;
	lr =	simm.s32 $0x1  }
0x2: {  	[smem:$0x3F9F] =	sst lr;
	_ =	strace $0xD0000000  }
0x3: {  	_ = 	snop  }
0x4: {  	_ = 	snop  }
0x5: {  	_ = 	snop  }
0x6: {  	_ = 	snop  }
0x7: {  	_ = 	snop  }
__scs_overlays_trampoline_lowered:
0x8: {  	[smem:$0x3FAE] =	sst s0  }
0x9: {  	[smem:$0x3FAF] =	sst s1  }
0xa: {  	[smem:$0x3FB0] =	sst s2  }
0xb: {  	[smem:$0x3FB1] =	sst s3  }
0xc: {  	[smem:$0x3FB2] =	sst s4  }
0xd: {  	[smem:$0x3FB3] =	sst s5  }
0xe: {  	[smem:$0x3FB4] =	sst s6  }
0xf: {  	[smem:$0x3FB5] =	sst s7  }
0x10: {  	[smem:$0x3FB6] =	sst s8  }
0x11: {  	[smem:$0x3FB7] =	sst s9;
	s0 =	simm.s32 @!p0 $0x0  }
0x12: {  	s1 =	sld [smem:$0x3F9D];
	s0 =	simm.s32 @p0 $0x1  }
0x13: {  	[smem:$0x3FB8] =	sst s0;
	s0 =	simm.s32 @!p1 $0x0  }
0x14: {  	s2 =	sld [smem:$0x3F9C];
	s0 =	simm.s32 @p1 $0x1  }
0x15: {  	[smem:$0x3FB9] =	sst s0;
	s0 =	simm.s32 @!p2 $0x0  }
0x16: {  	s3 =	sld [smem:$0x3FDB];
	s0 =	simm.s32 @p2 $0x1  }
0x17: {  	s4 =	simm.s32 $0x1BF5;
	[smem:$0x3FBB] =	sst s0  }
0x18: {  	s0 =	sld [smem:$0x3F9E];
	_ =	swait.ge [sflag:s4], $0x0  }
0x19: {  	s7 =	sld [smem:$0x3F9F]  }
0x1a: {  	s8 =	sadd.s32 $0xFFFFE003, lr  }
0x1b: {  	s9 =	sadd.s32 $0xFFFFFEF7, lr;
	s5 =	simm.s32 $0xFFFFFFFF;
	p2 =	slt.u32 s8, $0xFFFFF086  }
0x1c: {  	p1 =	slt.u32 s9, $0xF7A;
	s5 =	simm.s32 @!p2 $0x0  }
0x1d: {  	s5 =	simm.s32 @p1 $0x1;
	p0 =	seq.s32 s7, s2  }
0x1e: {  	s7 =	smul.u32 @!p0 $0xF7A, s2;
	p2 =	seq.s32 @!p0 s5, $0x0  }
0x1f: {  	s9 =	smul.u32 $0xF7A, s1;
	s8 =	simm.s32 @!p0 $0x1BF5;
	p2 =	por !p2, p0  }
0x20: {  	[sflag:s8] =	ssyncset.s32 @!p0 $0xFFFFF086;
	s6 =	sadd.s32 @!p0 s3, s7;
	s7 =	simm.s32 @!p0 $0x108  }
0x21: {  	s3 =	sadd.s32 s3, s9;
	s6 =	sadd.s32 @!p0 $0x88, s6;
	s7 =	simm.s32 @p2 $0x1082  }
0x22: {  	[simem:s7], [sflag:s8] =	dma.local @!p0 [hbm:s6], $0xF7A  }
0x23: {  	s9 =	sor.u32 $0xD0000000, s2;
	s6 =	simm.s32 $0x108;
	_ =	swait.ge @!p0 [sflag:s8], $0x0  }
0x24: {  	s3 =	sadd.s32 $0x88, s3;
	s6 =	simm.s32 @!p1 $0x1082;
	[sflag:s4] =	ssyncset.s32 $0xFFFFF086  }
0x25: {  	[simem:s6], [sflag:s4] =	dma.local [hbm:s3], $0xF7A  }
0x26: {  	[smem:$0x3F9F] =	sst s1;
	(tag) =	ssettag s2;
	_ =	strace s9  }
0x27: {  	s1 =	sld [smem:$0x3FAF]  }
0x28: {  	s2 =	sld [smem:$0x3FB0]  }
0x29: {  	s4 =	sld [smem:$0x3FB2]  }
0x2a: {  	p0 =	seq.s32 s5, $0x0;
	s5 =	sld [smem:$0x3FB3]  }
0x2b: {  	s6 =	sld [smem:$0x3FB4]  }
0x2c: {  	s7 =	sld [smem:$0x3FB5]  }
0x2d: {  	s3 =	simm.s32 $0x108;
	s8 =	sld [smem:$0x3FB6]  }
0x2e: {  	s3 =	simm.s32 @!p0 $0x1082;
	s9 =	sld [smem:$0x3FB7]  }
0x2f: {  	lr =	sadd.s32 s0, s3;
	s0 =	sld [smem:$0x3FAE]  }
0x30: {  	s3 =	sld [smem:$0x3FB1]  }
0x31: {  	[smem:$0x3FBA] =	sst s10  }
0x32: {  	s10 =	sld [smem:$0x3FB8];
	_ =	sdelay $0x3  }
0x33: {  	p0 =	seq.s32 s10, $0x1;
	s10 =	sld [smem:$0x3FBA];
	_ =	sdelay $0x3  }
0x34: {  	[smem:$0x3FBA] =	sst s10  }
0x35: {  	s10 =	sld [smem:$0x3FB9];
	_ =	sdelay $0x3  }
0x36: {  	p1 =	seq.s32 s10, $0x1;
	s10 =	sld [smem:$0x3FBA];
	_ =	sdelay $0x3  }
0x37: {  	[smem:$0x3FBA] =	sst s10  }
0x38: {  	s10 =	sld [smem:$0x3FBB]  }
0x39: {  	_ = 	snop;
	(pc) =	sbr.ind lr, $3  }
0x3a: {  	_ = 	snop  }
0x3b: {  	_ = 	snop  }
0x3c: {  	p2 =	seq.s32 s10, $0x1;
	s10 =	sld [smem:$0x3FBA]  }
0x3d: {  	_ =	shalt  }
0x3e: {  	_ =	shalt  }
0x3f: {  	_ =	shalt  }
0x40: {  	_ =	shalt  }
0x41: {  	_ =	shalt  }
0x42: {  	_ =	shalt  }
0x43: {  	_ =	shalt  }
0x44: {  	_ =	shalt  }
0x45: {  	_ =	shalt  }
0x46: {  	_ =	shalt  }
0x47: {  	_ =	shalt  }
0x48: {  	_ =	shalt  }
0x49: {  	_ =	shalt  }
0x4a: {  	_ =	shalt  }
0x4b: {  	_ =	shalt  }
0x4c: {  	_ =	shalt  }
0x4d: {  	_ =	shalt  }
0x4e: {  	_ =	shalt  }
0x4f: {  	_ =	shalt  }
0x50: {  	_ =	shalt  }
0x51: {  	_ =	shalt  }
0x52: {  	_ =	shalt  }
0x53: {  	_ =	shalt  }
0x54: {  	_ =	shalt  }
0x55: {  	_ =	shalt  }
0x56: {  	_ =	shalt  }
0x57: {  	_ =	shalt  }
0x58: {  	_ =	shalt  }
0x59: {  	_ =	shalt  }
0x5a: {  	_ =	shalt  }
0x5b: {  	_ =	shalt  }
0x5c: {  	_ =	shalt  }
0x5d: {  	_ =	shalt  }
0x5e: {  	_ =	shalt  }
0x5f: {  	_ =	shalt  }
0x60: {  	_ =	shalt  }
0x61: {  	_ =	shalt  }
0x62: {  	_ =	shalt  }
0x63: {  	_ =	shalt  }
0x64: {  	_ =	shalt  }
0x65: {  	_ =	shalt  }
0x66: {  	_ =	shalt  }
0x67: {  	_ =	shalt  }
0x68: {  	_ =	shalt  }
0x69: {  	_ =	shalt  }
0x6a: {  	_ =	shalt  }
0x6b: {  	_ =	shalt  }
0x6c: {  	_ =	shalt  }
0x6d: {  	_ =	shalt  }
0x6e: {  	_ =	shalt  }
0x6f: {  	_ =	shalt  }
0x70: {  	_ =	shalt  }
0x71: {  	_ =	shalt  }
0x72: {  	_ =	shalt  }
0x73: {  	_ =	shalt  }
0x74: {  	_ =	shalt  }
0x75: {  	_ =	shalt  }
0x76: {  	_ =	shalt  }
0x77: {  	_ =	shalt  }
0x78: {  	_ =	shalt  }
0x79: {  	_ =	shalt  }
0x7a: {  	_ =	shalt  }
0x7b: {  	_ =	shalt  }
0x7c: {  	_ =	shalt  }
0x7d: {  	_ =	shalt  }
0x7e: {  	_ =	shalt  }
0x7f: {  	_ =	shalt  }
0x80: {  	_ =	shalt  }
0x81: {  	_ =	shalt  }
0x82: {  	_ =	shalt  }
0x83: {  	_ =	shalt  }
0x84: {  	_ =	shalt  }
0x85: {  	_ =	shalt  }
0x86: {  	_ =	shalt  }
0x87: {  	_ =	shalt  }
.Lfunc_end0:
.L_simem_size_0:
called_computation.1_lowered:
.L_overlay_start_0:
0x88: {  	s2 =	sld [smem:$0x3FD9]  }
0x89: {  	s3 =	sld [smem:$0x3FFE];
	_ =	sdelay $0x1  }
0x8a: {  	s1 =	srdreg.scid  }
0x8b: {  	s0 =	sand.u32 $0x1, s1  }
0x8c: {  	s16 =	sshll.u32 s0, $0xA;
	s2 =	sadd.s32 s3, s2  }
0x8d: {  	s2 =	sadd.s32 s2, s16  }
0x8e: {  	[smem:$0x3FC6] =	sst s2  }
0x8f: {  	_ = 	snop  }
0x90: {  	(tm) =	ssettm $0x1  }
0x91: {  	s17 =	sld [smem:$0x3FFB];
	_ =	sdelay $0x3  }
0x92: {  	_ =	strace s17  }
0x93: {  	s2 =	sld [smem:$0x3FFC];
	_ =	sdelay $0x3  }
0x94: {  	_ =	strace s2  }
0x95: {  	s2 =	sld [smem:$0x3FFD];
	_ =	sdelay $0x3  }
0x96: {  	_ =	strace s2  }
0x97: {  	_ =	strace $0x8FFFFFFF  }
0x98: {  	s18 =	sld [smem:$0x3FDB];
	_ =	sdelay $0x1  }
0x99: {  	s19 =	simm.s32 $_scs_section_size  }
0x9a: {  	s4 =	simm.s32 $_size__tile_overlayer_lowered;
	s5 =	simm.s32 $_tile_overlayer_lowered  }
0x9b: {  	s22 =	simm.s32 $0x1BFF;
	s21 =	sshll.u32 s5, $0x1;
	s2 =	sadd.s32 s19, s18  }
0x9c: {  	s6 =	simm.s32 $0x0;
	s20 =	sshll.u32 s4, $0x1;
	s4 =	sadd.s32 s21, s2  }
0x9d: {  	[timem:s6], [sflag:s22] =	dma.local [hbm:s4], s20  }
0x9e: {  	_ =	swait.ge [sflag:s22], s20  }
0x9f: {  	s3 =	ssub.s32 $0x0, s20;
	[sflag:s22] =	ssyncset.done $0x0  }
0xa0: {  	[sflag:s22] =	ssyncadd.s32 s3;
	_ =	sdelay $0x1  }
0xa1: {  	s23 =	simm.s32 $0x1B8B  }
0xa2: {  	_ =	swait.ge [sflag:s23], $0x1  }
0xa3: {  	[sflag:s23] =	ssyncset.done $0x0  }
0xa4: {  	s25 =	simm.s32 $0x1B8E;
	s24 =	sld [smem:$0x3FFE];
	[sflag:s23] =	ssyncadd.s32 $0xFFFFFFFF  }
0xa5: {  	s26 =	simm.s32 $execute0_lowered;
	[smem:$0x3FD2] =	sst s25  }
0xa6: {  	s4 =	sshll.u32 s26, $0x1;
	_ =	strace $0x80000049;
	[dreg:$0x1] =	wrdreg $0xFFFFFFFF  }
0xa7: {  	s28 =	simm.s32 $_size_execute0_lowered;
	s2 =	sadd.s32 s2, s4;
	[dreg:$0x0] =	wrdreg $0x0  }
0xa8: {  	s4 =	sshll.u32 s28, $0x1;
	[dreg:$0x2] =	wrdreg s2  }
0xa9: {  	[dreg:$0x3] =	wrdreg s4  }
0xaa: {  	[dreg:$0x4] =	wrdreg $0xC0  }
0xab: {  	_ =	task [dreg:s6], $0x5FFFF  }
0xac: {  	[dreg:$0x1] =	wrdreg $0xFFFFFFFF  }
0xad: {  	[dreg:$0x0] =	wrdreg $0x60  }
0xae: {  	[dreg:$0x2] =	wrdreg s24  }
0xaf: {  	[dreg:$0x3] =	wrdreg $0x9  }
0xb0: {  	_ =	task.clear_ibuf [dreg:s6], $0x4FFFF;
	_ =	strace $0x90000049  }
0xb1: {  	s29 =	simm.s32 $0x9;
	_ =	strace $0x8000004B  }
0xb2: {  	_ =	swait.ge [sflag:s29], $0x1  }
0xb3: {  	[sflag:s29] =	ssyncadd.s32 $0xFFFFFFFF  }
0xb4: {  	_ =	strace $0x9000004B  }
0xb5: {  	_ =	sfence  }
0xb6: {  	s30 =	sld [smem:$0x0];
	_ =	sdelay $0x2  }
0xb7: {  	s31 =	sshll.u32 s1, $0xD;
	s1 =	sshrl.u32 s1, $0x2  }
0xb8: {  	s3 =	sand.u32 $0x4000, s31;
	s1 =	sadd.s32 s1, s30  }
0xb9: {  	s0 =	sor.u32 s3, s0;
	s1 =	sshll.u32 s1, $0x11  }
0xba: {  	s0 =	sor.u32 s1, s0  }
0xbb: {  	s0 =	sadd.s32 $0x8F2B, s0  }
0xbc: {  	[sflag:s0] =	ssyncadd.remote.s32 $0x1  }
0xbd: {  	_ =	sfence.sel $0xFFFF  }
0xbe: {  	[dreg:$0x0] =	wrdreg $0xFFFFFFFF;
	(pc) =	sbr.abs _section_cstart, $3  }
0xbf: {  	[dreg:$0x1] =	wrdreg $0xFFFFFFFF  }
0xc0: {  	_ =	task.clear_ibuf [dreg:s6], $0x2FFFF;
	_ =	strace $0x9FFFFFFF  }
0xc1: {  	(tm) =	ssettm $0x7FFFFFFF  }
tec
execute0_lowered:
.L_overlay_start_1:
0x0: {  	(tag) =	ssettag $0x1  }
0x1: {  	s4 =	rddreg [dreg:$0x0]  }
0x2: {  	s0 =	rddreg [dreg:$0x1]  }
0x3: {  	s2 =	simm.s32 $0x0;
	s3 =	srdreg.scid;
	s1 =	stileid.u32  }
0x4: {  	s9 =	simm.s32 $0x2000;
	s10 =	simm.s32 $0x6000;
	s11 =	simm.s32 $0x1  }
0x5: {  	s12 =	simm.s32 $0x8000;
	s13 =	simm.s32 $0x8080;
	s14 =	simm.s32 $0x0  }
0x6: {  	[smem:$0x7FF] =	sst s2;
	s5 =	sand.u32 $0x1, s3;
	s6 =	sshll.u32 s1, $0x1  }
0x7: {  	s3 =	sadd.s32 $0x400, s4;
	_ =	strace $0x8000004A;
	s6 =	sor.u32 s5, s6  }
0x8: {  	s5 =	ssub.s32 $0x2, s5;
	s7 =	sshll.u32 s6, $0xA;
	s6 =	sshll.u32 s6, $0x4  }
0x9: {  	s31 =	sshrl.u32 s5, $0x1;
	s7 =	sadd.s32 s7, s4;
	s6 =	sadd.s32 s6, s4  }
0xa: {  	s8 =	ssub.s32 s5, s31;
	s4 =	sadd.s32 $0x800400, s7;
	s5 =	sadd.s32 $0x808400, s6  }
0xb: {  	s6 =	sadd.s32 $0x808600, s6;
	s7 =	smax.u32 s8, $0x1;
	s8 =	simm.s32 $0x2  }
.LBB2_1:
0xc: {  	[tilespmem:s2], [sflag:$0x2] =	stream.linear.gather [hbm4b:s4+s2], $0x2000, $0x38;
	[tilespmem:$0x8100] =	vst v63  }
0xd: {  	_ =	swait.ge [sflag:s8], $0x2000  }
0xe: {  	[sflag:s8] =	ssyncset.done $0x0  }
0xf: {  	s16 =	simm.s32 $0x0;
	[sflag:s8] =	ssyncadd.s32 $0xFFFFE000  }
0x10: {  	v0 =	vld [tilespmem:s16+$0x0];
	_ =	sdelay $0x4  }
0x11: {  	s15 =	simm.s32 $0x10;
	v1 =	vshll.u32 v0, $0x1;
	v2 =	vshll.u32 v0, $0xA  }
0x12: {  	v3 =	vshra.s32 v0, $0x5;
	v4 =	vshrl.u32 v0, $0x1;
	v0 =	vld [tilespmem:s15+$0x0];
	v1 =	vand.u32 $0x2, v1  }
0x13: {  	v1 =	vadd.s32 $0xFFFFFFFF, v1  }
0x14: {  	v2 =	vand.u32 $0x3C00000, v2;
	v3 =	vand.u32 $0xFFFFF800, v3;
	v5 =	vcvt.s32.f32 v1  }
0x15: {  	v1 =	vadd.s32 v3, v2;
	v2 =	vand.u32 $0x7FF, v4  }
0x16: {  	s17 =	simm.s32 $0x80;
	v1 =	vor.u32 v2, v1;
	[tilespmem:s16+$0x4000] =	vst v5  }
.LBB2_2:
0x17: {  	s18 =	sshra.s32 s17, $0x2;
	p0 =	sne.s32 s17, $0x7FC0;
	s17 =	sadd.s32 $0x40, s17;
	v2 =	vshll.u32 v0, $0xA;
	v3 =	vshra.s32 v0, $0x5;
	v4 =	vshll.u32 v0, $0x1;
	[tilespmem:s16+$0x2000] =	vst v1;
	v1 =	vmovc v0  }
.Ltmp0:
0x18: {  	s16 =	smov.u32 s15;
	v0 =	vld [tilespmem:s18+$0x0];
	v2 =	vand.u32 $0x3C00000, v2;
	v3 =	vand.u32 $0xFFFFF800, v3;
	v4 =	vand.u32 $0x2, v4;
	s15 =	smov.u32 s18;
	(pc) =	sbr.rel @p0 .LBB2_2-.Ltmp0, $4  }
0x19: {  	v1 =	vshrl.u32 v1, $0x1;
	v2 =	vadd.s32 v3, v2;
	v3 =	vadd.s32 $0xFFFFFFFF, v4  }
0x1a: {  	v1 =	vand.u32 $0x7FF, v1;
	v3 =	vcvt.s32.f32 v3  }
0x1b: {  	v1 =	vor.u32 v1, v2  }
0x1c: {  	[tilespmem:s16+$0x4000] =	vst v3  }
0x1d: {  	v2 =	vshll.u32 v0, $0x1  }
0x1e: {  	v3 =	vshll.u32 v0, $0xA;
	v4 =	vshra.s32 v0, $0x5;
	v0 =	vshrl.u32 v0, $0x1  }
0x1f: {  	v2 =	vand.u32 $0x2, v2;
	v3 =	vand.u32 $0x3C00000, v3;
	v4 =	vand.u32 $0xFFFFF800, v4  }
0x20: {  	[tilespmem:s16+$0x2000] =	vst v1;
	v0 =	vand.u32 $0x7FF, v0;
	v2 =	vadd.s32 $0xFFFFFFFF, v2;
	v1 =	vadd.s32 v4, v3  }
0x21: {  	v2 =	vcvt.s32.f32 v2;
	v0 =	vor.u32 v0, v1  }
0x22: {  	[tilespmem:s15+$0x2000] =	vst v0  }
0x23: {  	[tilespmem:s15+$0x4000] =	vst v2  }
0x24: {  	[tilespmem:s10], [sflag:$0x1] =	stream.indirect.gather [hbm4b:s3+s9], $0x1, s9, s9, $0xb8;
	[tilespmem:$0x8100] =	vst v63  }
0x25: {  	_ =	swait.ge [sflag:s11], $0x2000  }
0x26: {  	[sflag:s11] =	ssyncset.done $0x0  }
0x27: {  	s25 =	simm.s32 $0x0;
	[sflag:s11] =	ssyncadd.s32 $0xFFFFE000  }
0x28: {  	v0 =	vld [tilespmem:s25+$0x6000]  }
0x29: {  	v1 =	vld [tilespmem:s25+$0x4000];
	_ =	sdelay $0x4  }
0x2a: {  	v0 =	vmul.f32 v1, v0  }
0x2b: {  	s26 =	simm.s32 $0x10  }
0x2c: {  	v2 =	vld [tilespmem:s26+$0x6000];
	v0 =	vsub.f32 $0.0e+00, v0  }
0x2d: {  	v3 =	vld [tilespmem:s26+$0x4000]  }
0x2e: {  	s28 =	simm.s32 $0x20;
	v0 =	vmul.f32 $1.442695020e+00, v0  }
0x2f: {  	v4 =	vld [tilespmem:s28+$0x6000]  }
0x30: {  	v5 =	vld [tilespmem:s28+$0x4000];
	(erf) = vpow2.f32 v0;
	_ =	sdelay $0x1  }
0x31: {  	v0 =	vmul.f32 v3, v2;
	_ =	sdelay $0x1  }
0x32: {  	v0 =	vsub.f32 $0.0e+00, v0  }
0x33: {  	v2 =	vmul.f32 v5, v4  }
0x34: {  	s29 =	simm.s32 $0x30;
	v0 =	vmul.f32 $1.442695020e+00, v0  }
0x35: {  	v6 =	vld [tilespmem:s29+$0x4000];
	v1 =	vsub.f32 $1.000000000e+00, v1;
	v2 =	vsub.f32 $0.0e+00, v2  }
0x36: {  	v4 =	vld [tilespmem:s29+$0x6000];
	(erf) = vpow2.f32 v0  }
0x37: {  	v1 =	vmul.f32 $5.000000000e-01, v1;
	v3 =	vsub.f32 $1.000000000e+00, v3;
	v2 =	vmul.f32 $1.442695020e+00, v2;
	v7 =	vpop (erf)  }
0x38: {  	s30 =	simm.s32 $0x40;
	v5 =	vsub.f32 $1.000000000e+00, v5;
	v0 =	vimm.f32 $0.0e+00;
	v7 =	vadd.f32 $1.000000000e+00, v7  }
0x39: {  	v3 =	vmul.f32 $5.000000000e-01, v3;
	v1 =	vadd.f32 v1, v0;
	(erf) = vpow2.f32 v2;
	v2 =	vld [tilespmem:s30+$0x6000]  }
0x3a: {  	(erf) = vrcp.f32 v7;
	v7 =	vld [tilespmem:s30+$0x4000]  }
0x3b: {  	v4 =	vmul.f32 v6, v4;
	v1 =	vadd.f32 v3, v1;
	v3 =	vmul.f32 $5.000000000e-01, v5  }
0x3c: {  	v5 =	vsub.f32 $1.000000000e+00, v6  }
0x3d: {  	v1 =	vadd.f32 v3, v1;
	v3 =	vsub.f32 $0.0e+00, v4  }
0x3e: {  	v4 =	vmul.f32 $5.000000000e-01, v5  }
0x3f: {  	v6 =	vpop (erf);
	v2 =	vmul.f32 v7, v2;
	v5 =	vsub.f32 $1.000000000e+00, v7;
	v7 =	vmul.f32 $1.442695020e+00, v3  }
0x40: {  	s31 =	simm.s32 $0x50;
	v1 =	vadd.f32 v4, v1;
	v4 =	vadd.f32 $1.000000000e+00, v6  }
0x41: {  	v3 =	vld [tilespmem:s31+$0x6000];
	(erf) = vpow2.f32 v7  }
0x42: {  	v8 =	vsub.f32 $0.0e+00, v2;
	v2 =	vld [tilespmem:s31+$0x4000];
	(erf) = vrcp.f32 v4  }
0x43: {  	v9 =	vmul.f32 $5.000000000e-01, v5  }
0x44: {  	v6 =	vpop (erf)  }
0x45: {  	s15 =	simm.s32 $0x180;
	v5 =	vmul.f32 $1.442695020e+00, v8;
	v1 =	vadd.f32 v9, v1;
	v4 =	vpop (erf)  }
.LBB2_4:
0x46: {  	s16 =	sshra.s32 s15, $0x2;
	v6 =	vadd.f32 $1.000000000e+00, v6;
	v0 =	vadd.f32 v4, v0;
	p0 =	sne.s32 s15, $0x7FC0  }
.Ltmp1:
0x47: {  	v4 =	vmul.f32 v2, v3;
	v3 =	vld [tilespmem:s16+$0x6000];
	v7 =	vsub.f32 $1.000000000e+00, v2;
	(erf) = vpow2.f32 v5;
	(pc) =	sbr.rel @p0 .LBB2_4-.Ltmp1, $4  }
0x48: {  	s15 =	sadd.s32 $0x40, s15;
	v2 =	vld [tilespmem:s16+$0x4000];
	(erf) = vrcp.f32 v6  }
0x49: {  	v8 =	vsub.f32 $0.0e+00, v4;
	v7 =	vmul.f32 $5.000000000e-01, v7  }
0x4a: {  	v6 =	vpop (erf)  }
0x4b: {  	v5 =	vmul.f32 $1.442695020e+00, v8;
	v1 =	vadd.f32 v7, v1;
	v4 =	vpop (erf)  }
0x4c: {  	_ = 	snop  }
0x4d: {  	v3 =	vmul.f32 v2, v3;
	_ =	sdelay $0x1  }
0x4e: {  	v3 =	vsub.f32 $0.0e+00, v3  }
0x4f: {  	v6 =	vadd.f32 $1.000000000e+00, v6  }
0x50: {  	(erf) = vpow2.f32 v5;
	v3 =	vmul.f32 $1.442695020e+00, v3  }
0x51: {  	(erf) = vrcp.f32 v6  }
0x52: {  	(erf) = vpow2.f32 v3;
	_ =	sdelay $0x4  }
0x53: {  	v55 =	vpop (erf)  }
0x54: {  	v56 =	vpop (erf);
	v3 =	vadd.f32 $1.000000000e+00, v55  }
0x55: {  	v57 =	vpop (erf)  }
0x56: {  	(erf) = vrcp.f32 v3;
	v58 =	vpop (erf);
	v6 =	vadd.f32 $1.000000000e+00, v57  }
0x57: {  	v7 =	vpop (erf)  }
0x58: {  	(erf) = vrcp.f32 v6;
	v59 =	vadd.f32 $1.000000000e+00, v7;
	_ =	sdelay $0x1  }
0x59: {  	v0 =	vadd.f32 v4, v0;
	(erf) = vrcp.f32 v59;
	_ =	sdelay $0x1  }
0x5a: {  	v0 =	vadd.f32 v56, v0;
	_ =	sdelay $0x1  }
0x5b: {  	v0 =	vadd.f32 v58, v0  }
0x5c: {  	v61 =	vsub.f32 $1.000000000e+00, v2;
	v60 =	vpop (erf)  }
0x5d: {  	v0 =	vadd.f32 v60, v0  }
0x5e: {  	v2 =	vmul.f32 $5.000000000e-01, v61;
	v62 =	vpop (erf)  }
0x5f: {  	v0 =	vadd.f32 v62, v0  }
0x60: {  	v1 =	vadd.f32 v2, v1;
	v63 =	vpop (erf)  }
0x61: {  	v0 =	vadd.f32 v63, v0  }
0x62: {  	[tilespmem:$0x8080] =	vst v1  }
0x63: {  	[tilespmem:$0x8000] =	vst v0  }
0x64: {  	[hbm4b:s5+s2] =	stream.linear.scatter [tilespmem:s12], [sflag:$0x2], $0x80, $0x38;
	[tilespmem:$0x8100] =	vst v63  }
0x65: {  	s14 =	sadd.s32 $0x1, s14;
	_ =	swait.ge [sflag:s8], $0x80  }
0x66: {  	p0 =	sne.s32 s14, s7;
	[sflag:s8] =	ssyncset.done $0x0  }
.Ltmp2:
0x67: {  	[sflag:s8] =	ssyncadd.s32 $0xFFFFFF80;
	(pc) =	sbr.rel @p0 .LBB2_1-.Ltmp2, $4  }
0x68: {  	[hbm4b:s6+s2] =	stream.linear.scatter [tilespmem:s13], [sflag:$0x2], $0x80, $0x38;
	[tilespmem:$0x8100] =	vst v63  }
0x69: {  	_ =	swait.ge [sflag:s8], $0x80  }
0x6a: {  	[sflag:s8] =	ssyncset.done $0x0  }
0x6b: {  	[sflag:s8] =	ssyncadd.s32 $0xFFFFFF80  }
0x6c: {  	_ =	sfence.sel $0x180000  }
0x6d: {  	[bflag:$0x0] =	sbarrier.arrive $0xFFFF  }
0x6e: {  	p0 =	sne.s32 s1, $0x0;
	_ =	strace $0x9000004A  }
0x6f: {  	s0 =	sadd.s32 @!p0 $0x100000, s0;
	[bflag:$0x2] =	sbarrier.arrive $0xFFFF  }
0x70: {  	[sflag:s0] =	ssyncadd.tile.s32 @!p0 $0x1;
	_ =	shalt  }
.Lfunc_end2:
_tile_overlayer_lowered:
.L_overlay_start_2:
0x71: {  	(tag) =	ssettag $0x2  }
0x72: {  	s0 =	rddreg [dreg:$0x0];
	s2 =	stileid.u32  }
0x73: {  	s1 =	rddreg [dreg:$0x1];
	p0 =	sne.s32 s2, $0x0  }
0x74: {  	s3 =	rddreg [dreg:$0x2];
	[bflag:$0x3] =	sbarrier.arrive $0xFFFF;
	s2 =	simm.s32 @!p0 $0x1C02  }
0x75: {  	[timem:s3], [sflag:s2] =	dma.local @!p0 [hbm:s0], s1  }
0x76: {  	s0 =	simm.s32 @!p0 $0x2  }
0x77: {  	_ =	swait.ge @!p0 [sflag:s0], s1  }
0x78: {  	s1 =	ssub.s32 @!p0 $0x0, s1;
	[sflag:s0] =	ssyncset.done @!p0 $0x0  }
0x79: {  	[sflag:s0] =	ssyncadd.s32 @!p0 s1  }
0x7a: {  	[bflag:$0x3] =	sbarrier.arrive $0xFFFF  }
0x7b: {  	_ =	shalt  }

// kernel: sparse-core-data-format-call.cloned.1.call-start
scs
called_computation_lowered:
.L_overlay_start_0:
0x0: {  	s2 =	sld [smem:$0x3FD9]  }
0x1: {  	s3 =	sld [smem:$0x3FFE];
	_ =	sdelay $0x1  }
0x2: {  	s1 =	srdreg.scid  }
0x3: {  	s0 =	sand.u32 $0x1, s1  }
0x4: {  	s18 =	sshll.u32 s0, $0xA;
	s2 =	sadd.s32 s3, s2  }
0x5: {  	s2 =	sadd.s32 s2, s18  }
0x6: {  	[smem:$0x3FC6] =	sst s2  }
0x7: {  	_ = 	snop  }
0x8: {  	s2 =	sld [smem:$0x3FC9];
	(tm) =	ssettm $0x1  }
0x9: {  	s19 =	sld [smem:$0x3FFB];
	_ =	sdelay $0x3  }
0xa: {  	_ =	strace s19  }
0xb: {  	s3 =	sld [smem:$0x3FFC];
	_ =	sdelay $0x3  }
0xc: {  	_ =	strace s3  }
0xd: {  	s3 =	sld [smem:$0x3FFD];
	_ =	sdelay $0x3  }
0xe: {  	_ =	strace s3  }
0xf: {  	_ =	strace $0x8FFFFFFF  }
0x10: {  	s20 =	sld [smem:$0x3FDB];
	_ =	sdelay $0x1  }
0x11: {  	s4 =	simm.s32 $_scs_section_size  }
0x12: {  	s5 =	simm.s32 $_size__tile_overlayer_lowered;
	s6 =	simm.s32 $_tile_overlayer_lowered  }
0x13: {  	s23 =	simm.s32 $0x1BFF;
	s22 =	sshll.u32 s6, $0x1;
	s3 =	sadd.s32 s4, s20  }
0x14: {  	s7 =	simm.s32 $0x0;
	s21 =	sshll.u32 s5, $0x1;
	s5 =	sadd.s32 s22, s3  }
0x15: {  	[timem:s7], [sflag:s23] =	dma.local [hbm:s5], s21  }
0x16: {  	_ =	swait.ge [sflag:s23], s21  }
0x17: {  	s4 =	ssub.s32 $0x0, s21;
	[sflag:s23] =	ssyncset.done $0x0  }
0x18: {  	[sflag:s23] =	ssyncadd.s32 s4;
	_ =	sdelay $0x1  }
0x19: {  	s24 =	simm.s32 $0x1B8B  }
0x1a: {  	_ =	swait.ge [sflag:s24], $0x1  }
0x1b: {  	[sflag:s24] =	ssyncset.done $0x0  }
0x1c: {  	s26 =	simm.s32 $0x1B8E;
	s25 =	sld [smem:$0x3FFE];
	[sflag:s24] =	ssyncadd.s32 $0xFFFFFFFF  }
0x1d: {  	s27 =	simm.s32 $execute0_lowered;
	[smem:$0x3FD2] =	sst s26  }
0x1e: {  	s5 =	sshll.u32 s27, $0x1;
	_ =	strace $0x80000046;
	[dreg:$0x1] =	wrdreg $0xFFFFFFFF  }
0x1f: {  	s28 =	simm.s32 $_size_execute0_lowered;
	s3 =	sadd.s32 s3, s5;
	[dreg:$0x0] =	wrdreg $0x0  }
0x20: {  	s5 =	sshll.u32 s28, $0x1;
	[dreg:$0x2] =	wrdreg s3  }
0x21: {  	[dreg:$0x3] =	wrdreg s5  }
0x22: {  	[dreg:$0x4] =	wrdreg $0xC0  }
0x23: {  	_ =	task [dreg:s7], $0x5FFFF  }
0x24: {  	[dreg:$0x1] =	wrdreg $0xFFFFFFFF  }
0x25: {  	[dreg:$0x0] =	wrdreg $0x60  }
0x26: {  	[dreg:$0x2] =	wrdreg s2  }
0x27: {  	[dreg:$0x3] =	wrdreg s25  }
0x28: {  	[dreg:$0x4] =	wrdreg $0x9  }
0x29: {  	_ =	task.clear_ibuf [dreg:s7], $0x5FFFF;
	_ =	strace $0x90000046  }
0x2a: {  	s29 =	simm.s32 $0x9;
	_ =	strace $0x80000048  }
0x2b: {  	_ =	swait.ge [sflag:s29], $0x1  }
0x2c: {  	[sflag:s29] =	ssyncadd.s32 $0xFFFFFFFF  }
0x2d: {  	_ =	strace $0x90000048  }
0x2e: {  	_ =	sfence  }
0x2f: {  	s30 =	sld [smem:$0x0];
	_ =	sdelay $0x2  }
0x30: {  	s31 =	sshll.u32 s1, $0xD;
	s1 =	sshrl.u32 s1, $0x2  }
0x31: {  	s3 =	sand.u32 $0x4000, s31;
	s1 =	sadd.s32 s1, s30  }
0x32: {  	s0 =	sor.u32 s3, s0;
	s1 =	sshll.u32 s1, $0x11  }
0x33: {  	s0 =	sor.u32 s1, s0  }
0x34: {  	s0 =	sadd.s32 $0x8F2B, s0  }
0x35: {  	[sflag:s0] =	ssyncadd.remote.s32 $0x1  }
0x36: {  	_ =	sfence.sel $0xFFFF  }
0x37: {  	[dreg:$0x0] =	wrdreg $0xFFFFFFFF;
	(pc) =	sbr.abs _section_cstart, $3  }
0x38: {  	[dreg:$0x1] =	wrdreg $0xFFFFFFFF  }
0x39: {  	_ =	task.clear_ibuf [dreg:s7], $0x2FFFF;
	_ =	strace $0x9FFFFFFF  }
0x3a: {  	(tm) =	ssettm $0x7FFFFFFF  }
0x3b: {  	_ =	shalt  }
tec
execute0_lowered:
.L_overlay_start_1:
0x0: {  	(tag) =	ssettag $0x1  }
0x1: {  	s2 =	rddreg [dreg:$0x0]  }
0x2: {  	s1 =	rddreg [dreg:$0x1]  }
0x3: {  	s0 =	rddreg [dreg:$0x2];
	_ =	strace $0x80000047;
	s4 =	srdreg.scid  }
.Ltmp0:
0x4: {  	s6 =	simm.s32 $0x2;
	p0 =	por $0x0, $0x0;
	(pc) =	sbr.rel .LBB1_1-.Ltmp0, $4  }
0x5: {  	s9 =	simm.s32 $0x0;
	s3 =	sadd.s32 $0x400, s1;
	s5 =	sshll.u32 s4, $0x4  }
0x6: {  	s1 =	stileid.u32;
	s4 =	simm.s32 $0x1;
	s5 =	sand.u32 $0x10, s5  }
0x7: {  	s7 =	simm.s32 $0x0;
	[sflag:s4] =	ssyncpa.u1 $0x0;
	s5 =	sor.u32 s1, s5  }
0x8: {  	[sflag:s6] =	ssyncpa.u1 $0x0;
	s6 =	simm.s32 $0x0;
	s8 =	smov.u32 s5  }
.LBB1_7:
0x9: {  	s11 =	sadd.s32 $0x20, s8  }
0xa: {  	p1 =	slt.u32 s7, $0x2;
	s7 =	sadd.s32 $0x1, s7;
	p2 =	sgt.s32 s11, $0xFFF  }
0xb: {  	s11 =	smov.u32 @p2 s5;
	p2 =	sne.s32 s7, $0x82  }
.Ltmp1:
0xc: {  	_ = 	snop;
	(pc) =	sbr.rel @!p2 .LBB1_8-.Ltmp1, $4  }
0xd: {  	s10 =	simm.s32 @!p1 $0x2  }
0xe: {  	_ =	swait.ge @!p1 [sflag:s10], $0x4000  }
0xf: {  	s9 =	smov.u32 s8;
	[sflag:s10] =	ssyncset.done @!p1 $0x0  }
0x10: {  	p0 =	por !p0, !p0;
	s8 =	smov.u32 s11;
	[sflag:s10] =	ssyncadd.s32 @!p1 $0xFFFFC000  }
.LBB1_1:
0x11: {  	p1 =	sgt.u32 s7, $0x7F  }
0x12: {  	s10 =	sxor.u32 @!p1 $0xFFFFFFFF, s7  }
0x13: {  	s11 =	sshll.u32 @!p1 s8, $0xB;
	s10 =	sshll.u32 @!p1 s10, $0xE  }
0x14: {  	s12 =	simm.s32 @!p1 $0x0;
	s11 =	sadd.s32 @!p1 s2, s11;
	s10 =	sand.u32 @!p1 $0x4000, s10  }
0x15: {  	[tilespmem:s10], [sflag:$0x1] =	stream.linear.gather @!p1 [hbm4b:s11+s12], $0x4000, $0x38;
	[tilespmem:$0x10000] =	vst v63  }
0x16: {  	p1 =	seq.s32 s7, $0x0  }
0x17: {  	p2 =	seq.s32 @!p1 s7, $0x81  }
0x18: {  	p1 =	por p1, p2  }
.Ltmp2:
0x19: {  	_ = 	snop;
	(pc) =	sbr.rel @p1 .LBB1_7-.Ltmp2, $1  }
0x1a: {  	_ =	sdelay $0x3  }
0x1b: {  	s10 =	simm.s32 $0x1;
	_ =	swait.ge [sflag:s4], $0x4000;
	s12 =	sshll.u32 s7, $0xE  }
0x1c: {  	s13 =	simm.s32 $0x0;
	s10 =	simm.s32 @!p0 $0x0;
	[sflag:s4] =	ssyncset.done $0x0  }
0x1d: {  	s12 =	sand.u32 $0x4000, s12;
	s11 =	sshll.u32 s10, $0xE;
	[sflag:s4] =	ssyncadd.s32 $0xFFFFC000  }
0x1e: {  	s12 =	sor.u32 $0x8000, s12;
	s10 =	sor.u32 $0x8040, s11;
	s11 =	sor.u32 $0x40, s11  }
.LBB1_3:
0x1f: {  	v0 =	vmov s11;
	_ =	sdelay $0x3  }
0x20: {  	s15 =	simm.s32 $0x0  }
0x21: {  	v6 =	vld.idx.msk [tilespmem:v0+s15+$0x30 ss:$0x1], $0xffff  }
0x22: {  	v7 =	vld.idx.msk [tilespmem:v0+s15+$0xFFFFFFC0 ss:$0x1], $0xffff  }
0x23: {  	v5 =	vld.idx.msk [tilespmem:v0+s15+$0xFFFFFFD0 ss:$0x1], $0xffff  }
0x24: {  	v4 =	vld.idx.msk [tilespmem:v0+s15+$0xFFFFFFE0 ss:$0x1], $0xffff  }
0x25: {  	v3 =	vld.idx.msk [tilespmem:v0+s15+$0xFFFFFFF0 ss:$0x1], $0xffff  }
0x26: {  	v1 =	vld.idx.msk [tilespmem:v0+s15+$0x0 ss:$0x1], $0xffff  }
0x27: {  	v2 =	vld.idx.msk [tilespmem:v0+s15+$0x10 ss:$0x1], $0xffff;
	[tilespmem:s10+$0x30] =	vst v6  }
0x28: {  	s14 =	simm.s32 $0x80;
	s16 =	simm.s32 $0x400;
	[tilespmem:s10+$0xFFFFFFC0] =	vst v7;
	v6 =	vld.idx.msk [tilespmem:v0+s15+$0x20 ss:$0x1], $0xffff;
	s15 =	smov.u32 s10  }
.LBB1_4:
0x29: {  	p1 =	sne.s32 s16, $0xE00;
	v7 =	vld.idx.msk [tilespmem:v0+s14+$0x30 ss:$0x1], $0xffff;
	[tilespmem:s15+$0xFFFFFFD0] =	vst v5  }
0x2a: {  	v8 =	vld.idx.msk [tilespmem:v0+s14+$0xFFFFFFC0 ss:$0x1], $0xffff;
	[tilespmem:s15+$0xFFFFFFE0] =	vst v4  }
0x2b: {  	v5 =	vld.idx.msk [tilespmem:v0+s14+$0xFFFFFFD0 ss:$0x1], $0xffff;
	[tilespmem:s15+$0xFFFFFFF0] =	vst v3  }
.Ltmp3:
0x2c: {  	v4 =	vld.idx.msk [tilespmem:v0+s14+$0xFFFFFFE0 ss:$0x1], $0xffff;
	[tilespmem:s15+$0x0] =	vst v1;
	(pc) =	sbr.rel @p1 .LBB1_4-.Ltmp3, $4  }
0x2d: {  	v3 =	vld.idx.msk [tilespmem:v0+s14+$0xFFFFFFF0 ss:$0x1], $0xffff;
	[tilespmem:s15+$0x10] =	vst v2  }
0x2e: {  	v1 =	vld.idx.msk [tilespmem:v0+s14+$0x0 ss:$0x1], $0xffff;
	[tilespmem:s15+$0x20] =	vst v6;
	s15 =	sadd.s32 $0x800, s15  }
0x2f: {  	v2 =	vld.idx.msk [tilespmem:v0+s14+$0x10 ss:$0x1], $0xffff;
	[tilespmem:s15+$0x30] =	vst v7  }
0x30: {  	[tilespmem:s15+$0xFFFFFFC0] =	vst v8;
	v6 =	vld.idx.msk [tilespmem:v0+s14+$0x20 ss:$0x1], $0xffff;
	s14 =	sshra.s32 s16, $0x2;
	s16 =	sadd.s32 $0x200, s16  }
0x31: {  	_ =	sdelay $0x2  }
0x32: {  	[tilespmem:s15+$0xFFFFFFD0] =	vst v5  }
0x33: {  	v56 =	vld.idx.msk [tilespmem:v0+s14+$0x30 ss:$0x1], $0xffff;
	[tilespmem:s15+$0xFFFFFFE0] =	vst v4  }
0x34: {  	v57 =	vld.idx.msk [tilespmem:v0+s14+$0xFFFFFFC0 ss:$0x1], $0xffff;
	[tilespmem:s15+$0xFFFFFFF0] =	vst v3  }
0x35: {  	v58 =	vld.idx.msk [tilespmem:v0+s14+$0xFFFFFFD0 ss:$0x1], $0xffff;
	[tilespmem:s15+$0x0] =	vst v1  }
0x36: {  	v59 =	vld.idx.msk [tilespmem:v0+s14+$0xFFFFFFE0 ss:$0x1], $0xffff;
	[tilespmem:s15+$0x10] =	vst v2  }
0x37: {  	v60 =	vld.idx.msk [tilespmem:v0+s14+$0xFFFFFFF0 ss:$0x1], $0xffff;
	s31 =	sadd.s32 $0x800, s15;
	[tilespmem:s15+$0x20] =	vst v6  }
0x38: {  	v61 =	vld.idx.msk [tilespmem:v0+s14+$0x0 ss:$0x1], $0xffff;
	[tilespmem:s31+$0x30] =	vst v56  }
0x39: {  	v62 =	vld.idx.msk [tilespmem:v0+s14+$0x10 ss:$0x1], $0xffff;
	s13 =	sadd.s32 $0x1, s13;
	[tilespmem:s31+$0xFFFFFFC0] =	vst v57  }
0x3a: {  	v63 =	vld.idx.msk [tilespmem:v0+s14+$0x20 ss:$0x1], $0xffff;
	p1 =	sne.s32 s13, $0x10;
	[tilespmem:s31+$0xFFFFFFD0] =	vst v58  }
.Ltmp4:
0x3b: {  	[tilespmem:s31+$0xFFFFFFE0] =	vst v59;
	(pc) =	sbr.rel @p1 .LBB1_3-.Ltmp4, $4  }
0x3c: {  	[tilespmem:s31+$0xFFFFFFF0] =	vst v60  }
0x3d: {  	[tilespmem:s31+$0x0] =	vst v61  }
0x3e: {  	[tilespmem:s31+$0x10] =	vst v62  }
0x3f: {  	s10 =	sadd.s32 $0x80, s10;
	s11 =	sadd.s32 $0x400, s11;
	[tilespmem:s31+$0x20] =	vst v63  }
.Ltmp5:
0x40: {  	(pc) =	sbr.rel .LBB1_7-.Ltmp5, $4  }
0x41: {  	_ = 	snop  }
0x42: {  	s9 =	sshll.u32 s9, $0xB  }
0x43: {  	s9 =	sadd.s32 s3, s9  }
0x44: {  	[hbm4b:s9+s6] =	stream.linear.scatter [tilespmem:s12], [sflag:$0x2], $0x4000, $0x38;
	[tilespmem:$0x10000] =	vst v63  }
.LBB1_8:
0x45: {  	_ =	sfence.sel $0x180000  }
0x46: {  	s2 =	simm.s32 $0x1;
	[bflag:$0x0] =	sbarrier.arrive $0xFFFF  }
0x47: {  	s31 =	simm.s32 $0x2;
	[sflag:s2] =	ssyncpa.u1 $0x1  }
0x48: {  	[sflag:s31] =	ssyncpa.u1 $0x1  }
0x49: {  	p0 =	sne.s32 s1, $0x0;
	_ =	strace $0x90000047  }
0x4a: {  	s0 =	sadd.s32 @!p0 $0x100000, s0;
	[bflag:$0x2] =	sbarrier.arrive $0xFFFF  }
0x4b: {  	[sflag:s0] =	ssyncadd.tile.s32 @!p0 $0x1;
	_ =	shalt  }
.Lfunc_end1:
_tile_overlayer_lowered:
.L_overlay_start_2:
0x4c: {  	(tag) =	ssettag $0x2  }
0x4d: {  	s0 =	rddreg [dreg:$0x0];
	s2 =	stileid.u32  }
0x4e: {  	s1 =	rddreg [dreg:$0x1];
	p0 =	sne.s32 s2, $0x0  }
0x4f: {  	s3 =	rddreg [dreg:$0x2];
	[bflag:$0x3] =	sbarrier.arrive $0xFFFF;
	s2 =	simm.s32 @!p0 $0x1C01  }
0x50: {  	[timem:s3], [sflag:s2] =	dma.local @!p0 [hbm:s0], s1  }
0x51: {  	s0 =	simm.s32 @!p0 $0x1  }
0x52: {  	_ =	swait.ge @!p0 [sflag:s0], s1  }
0x53: {  	s1 =	ssub.s32 @!p0 $0x0, s1;
	[sflag:s0] =	ssyncset.done @!p0 $0x0  }
0x54: {  	[sflag:s0] =	ssyncadd.s32 @!p0 s1  }
0x55: {  	[bflag:$0x3] =	sbarrier.arrive $0xFFFF  }
0x56: {  	_ =	shalt  }

</sc_bundles>
